<compile_context>
chip_gen: v7x
topology: tpu7x:2x2x1
jax: 0.10.2.dev20260603
libtpu: 0.0.44.dev20260713+nightly
codegen_flags: <defaults>
</compile_context>

<pallas_src>
import functools

import jax
import jax.numpy as jnp
from jax import lax
from jax.experimental import pallas as pl
from jax.experimental.pallas import tpu as pltpu
from jax.experimental.pallas import tpu_sc as plsc

_C = 80
_NC = 2
_NS = 16


def _sc_aggregate(x, src3, dst3, zeros2, zeros1):
    n, d = x.shape
    chunks_per_tile = src3.shape[1]

    mesh = plsc.VectorSubcoreMesh(core_axis_name="c", subcore_axis_name="s")

    @functools.partial(
        pl.kernel,
        mesh=mesh,
        out_type=[
            jax.ShapeDtypeStruct((n, d), jnp.float32),
            jax.ShapeDtypeStruct((n, d), jnp.float32),
            jax.ShapeDtypeStruct((n,), jnp.float32),
            jax.ShapeDtypeStruct((n,), jnp.float32),
        ],
        scratch_types=[
            pltpu.VMEM((chunks_per_tile, _C), jnp.int32),
            pltpu.VMEM((chunks_per_tile, _C), jnp.int32),
            pltpu.VMEM((_C, d), jnp.float32),
            pltpu.VMEM((_C,), jnp.float32),
            pltpu.VMEM_SHARED((n, d), jnp.float32),
            pltpu.VMEM_SHARED((n,), jnp.float32),
            pltpu.SemaphoreType.DMA,
        ],
    )
    def k(x_hbm, src_hbm, dst_hbm, z2_hbm, z1_hbm,
          agg0_out, agg1_out, deg0_out, deg1_out,
          src_v, dst_v, rows_v, ones_v, agg_sh, deg_sh, sem):
        c = lax.axis_index("c")
        s = lax.axis_index("s")
        w = c * _NS + s

        @pl.when(s == 0)
        def _():
            pltpu.sync_copy(z2_hbm, agg_sh)

        @pl.when(s == 1)
        def _():
            pltpu.sync_copy(z1_hbm, deg_sh)

        pltpu.sync_copy(src_hbm.at[w], src_v)
        pltpu.sync_copy(dst_hbm.at[w], dst_v)

        for i in range(_C // 16):
            ones_v[pl.ds(i * 16, 16)] = jnp.ones((16,), jnp.float32)

        plsc.subcore_barrier()

        def body(j, carry):
            pltpu.async_copy(x_hbm.at[src_v.at[j]], rows_v, sem).wait()
            pltpu.sync_copy(rows_v, agg_sh.at[dst_v.at[j]], add=True)
            pltpu.sync_copy(ones_v, deg_sh.at[dst_v.at[j]], add=True)
            return carry

        lax.fori_loop(0, chunks_per_tile, body, 0)

        plsc.subcore_barrier()

        @pl.when(jnp.logical_and(s == 0, c == 0))
        def _():
            pltpu.sync_copy(agg_sh, agg0_out)

        @pl.when(jnp.logical_and(s == 0, c == 1))
        def _():
            pltpu.sync_copy(agg_sh, agg1_out)

        @pl.when(jnp.logical_and(s == 1, c == 0))
        def _():
            pltpu.sync_copy(deg_sh, deg0_out)

        @pl.when(jnp.logical_and(s == 1, c == 1))
        def _():
            pltpu.sync_copy(deg_sh, deg1_out)

    return k(x, src3, dst3, zeros2, zeros1)


def _tc_body(x_ref, agg0_ref, agg1_ref, deg0_ref, deg1_ref,
             ws_ref, wn_ref, b_ref, o_ref):
    agg = agg0_ref[...] + agg1_ref[...]
    deg = jnp.maximum(deg0_ref[...] + deg1_ref[...], 1.0)
    h = agg / deg
    o_ref[...] = (
        jnp.dot(x_ref[...], ws_ref[...], preferred_element_type=jnp.float32)
        + jnp.dot(h, wn_ref[...], preferred_element_type=jnp.float32)
        + b_ref[...])


def kernel(x, edge_index, W_self, W_neigh, b):
    n, d = x.shape
    e = edge_index.shape[1]
    f = W_self.shape[1]
    nw = _NC * _NS

    ei = edge_index.astype(jnp.int32)
    src3 = ei[0].reshape(nw, e // (nw * _C), _C)
    dst3 = ei[1].reshape(nw, e // (nw * _C), _C)
    zeros2 = jnp.zeros((n, d), jnp.float32)
    zeros1 = jnp.zeros((n,), jnp.float32)

    agg0, agg1, deg0, deg1 = _sc_aggregate(x, src3, dst3, zeros2, zeros1)

    out = pl.pallas_call(
        _tc_body,
        out_shape=jax.ShapeDtypeStruct((n, f), jnp.float32),
    )(x, agg0, agg1, deg0.reshape(n, 1), deg1.reshape(n, 1),
      W_self, W_neigh, b.reshape(1, f))
    return out

# --- scband reference (transcript-rebuilt; emitter-appended) ---
"""Pipeline reference for scband-graph-sage-34694745817357 (READ-ONLY COPY).

The authoritative reference and input builder live on the scoring server;
editing this copy changes nothing except your own understanding.
"""

import jax, jax.numpy as jnp
import numpy as np

N = 10000
E = 320000
D = 128
F = 128

def setup_inputs(seed: int = 0) -> dict:
    key = jax.random.key(seed)
    k_x, k_ei, k_ws, k_wn, k_b = jax.random.split(key, 5)
    x = jax.random.normal(k_x, (N, D), dtype=jnp.float32)
    edge_index = jax.random.randint(k_ei, (2, E), 0, N, dtype=jnp.int64)
    # Learned parameters (DGL-style SAGEConv with mean aggregator: fc_self + fc_neigh)
    scale = 1.0 / np.sqrt(D)
    W_self = jax.random.normal(k_ws, (D, F), dtype=jnp.float32) * scale
    W_neigh = jax.random.normal(k_wn, (D, F), dtype=jnp.float32) * scale
    b = jnp.zeros((F,), dtype=jnp.float32)
    return {"x": x, "edge_index": edge_index, "W_self": W_self, "W_neigh": W_neigh, "b": b}

def reference(x, edge_index, W_self, W_neigh, b):
    # GraphSAGE with mean aggregator:
    #   h_N(i) = mean_{j in N(i)} h_j
    #   h_i'   = W_self @ h_i + W_neigh @ h_N(i) + b
    src = edge_index[0]
    dst = edge_index[1]
    msgs = jnp.take(x, src, axis=0)                      # gather [E, D]
    agg = jax.ops.segment_sum(msgs, dst, num_segments=N)  # scatter-add [N, D]
    deg = jax.ops.segment_sum(jnp.ones((E,), dtype=x.dtype), dst, num_segments=N)
    deg = jnp.clip(deg, 1.0, None)
    h_neigh = agg / deg[:, None]                          # mean aggregation
    out = x @ W_self + h_neigh @ W_neigh + b
    return out

if __name__ == "__main__":
    import jax
    _d = setup_inputs()
    print(jax.jit(kernel)(*tuple(_d.values())))

</pallas_src>

<mosaic_0001>
#map = affine_map<(d0, d1) -> (0, 0)>
#map1 = affine_map<(d0, d1) -> (0, 0, 0)>
#map2 = affine_map<(d0, d1) -> (0)>
module attributes {stable_mosaic.version = 14 : i64} {
  func.func @k(%arg0: i32, %arg1: i32, %arg2: memref<10000x128xf32, #tpu.memory_space<hbm>>, %arg3: memref<32x125x80xi32, #tpu.memory_space<hbm>>, %arg4: memref<32x125x80xi32, #tpu.memory_space<hbm>>, %arg5: memref<10000x128xf32, #tpu.memory_space<hbm>>, %arg6: memref<10000xf32, #tpu.memory_space<hbm>>, %arg7: memref<10000x128xf32, #tpu.memory_space<hbm>>, %arg8: memref<10000x128xf32, #tpu.memory_space<hbm>>, %arg9: memref<10000xf32, #tpu.memory_space<hbm>>, %arg10: memref<10000xf32, #tpu.memory_space<hbm>>, %arg11: memref<125x80xi32, #tpu.memory_space<vmem>>, %arg12: memref<125x80xi32, #tpu.memory_space<vmem>>, %arg13: memref<80x128xf32, #tpu.memory_space<vmem>>, %arg14: memref<80xf32, #tpu.memory_space<vmem>>, %arg15: memref<10000x128xf32, #tpu.memory_space<vmem_shared>>, %arg16: memref<10000xf32, #tpu.memory_space<vmem_shared>>, %arg17: memref<!tpu.dma_semaphore, #tpu.memory_space<semaphore_mem>>) attributes {dimension_semantics = [#tpu.dimension_semantics<core_parallel>, #tpu.dimension_semantics<subcore_parallel>], iteration_bounds = array<i64: 2, 16>, scalar_prefetch = 0 : i64, scratch_operands = 7 : i64, tpu.core_type = #tpu.core_type<sc_vector_subcore>, window_params = [{transform_indices = #map}, {transform_indices = #map1}, {transform_indices = #map1}, {transform_indices = #map}, {transform_indices = #map2}, {transform_indices = #map}, {transform_indices = #map}, {transform_indices = #map2}, {transform_indices = #map2}]} {
    %mul3A = arith.constant 16 : i32
    %mul3A_0 = arith.muli %arg0, %mul3A : i32
    %add3A = arith.addi %mul3A_0, %arg1 : i32
    %eq3A = arith.constant 0 : i32
    %eq3A_1 = arith.cmpi eq, %arg1, %eq3A : i32
    %convert_element_type3A = arith.extui %eq3A_1 : i1 to i32
    %cond3A = arith.constant 0 : i32
    %cond3A_2 = arith.cmpi ne, %convert_element_type3A, %cond3A : i32
    scf.if %cond3A_2 {
      "tpu.region"() ({
        %run_scoped3A = tpu.sem_alloc : memref<!tpu.dma_semaphore, #tpu.memory_space<semaphore_mem>>
        tpu.enqueue_dma source(%arg5 : memref<10000x128xf32, #tpu.memory_space<hbm>>) target(%arg15 : memref<10000x128xf32, #tpu.memory_space<vmem_shared>>) target_semaphore(%run_scoped3A : memref<!tpu.dma_semaphore, #tpu.memory_space<semaphore_mem>>)
        tpu.wait_dma2 semaphore(%run_scoped3A : memref<!tpu.dma_semaphore, #tpu.memory_space<semaphore_mem>>) src(%arg5 : memref<10000x128xf32, #tpu.memory_space<hbm>>) dst(%arg15 : memref<10000x128xf32, #tpu.memory_space<vmem_shared>>)
        tpu.yield
      }) : () -> ()
    } else {
    }
    %eq3A_3 = arith.constant 1 : i32
    %eq3A_4 = arith.cmpi eq, %arg1, %eq3A_3 : i32
    %convert_element_type3A_5 = arith.extui %eq3A_4 : i1 to i32
    %cond3A_6 = arith.constant 0 : i32
    %cond3A_7 = arith.cmpi ne, %convert_element_type3A_5, %cond3A_6 : i32
    scf.if %cond3A_7 {
      "tpu.region"() ({
        %run_scoped3A = tpu.sem_alloc : memref<!tpu.dma_semaphore, #tpu.memory_space<semaphore_mem>>
        tpu.enqueue_dma source(%arg6 : memref<10000xf32, #tpu.memory_space<hbm>>) target(%arg16 : memref<10000xf32, #tpu.memory_space<vmem_shared>>) target_semaphore(%run_scoped3A : memref<!tpu.dma_semaphore, #tpu.memory_space<semaphore_mem>>)
        tpu.wait_dma2 semaphore(%run_scoped3A : memref<!tpu.dma_semaphore, #tpu.memory_space<semaphore_mem>>) src(%arg6 : memref<10000xf32, #tpu.memory_space<hbm>>) dst(%arg16 : memref<10000xf32, #tpu.memory_space<vmem_shared>>)
        tpu.yield
      }) : () -> ()
    } else {
    }
    "tpu.region"() ({
      %run_scoped3A = tpu.sem_alloc : memref<!tpu.dma_semaphore, #tpu.memory_space<semaphore_mem>>
      %dma_start3A = arith.constant 0 : i32
      %dma_start3A_73 = arith.constant 0 : i32
      %dma_start3A_74 = tpu.memref_slice %arg3[%add3A, %dma_start3A, %dma_start3A_73] : memref<32x125x80xi32, #tpu.memory_space<hbm>> -> memref<1x125x80xi32, #tpu.memory_space<hbm>>
      %dma_start3A_75 = tpu.memref_squeeze %dma_start3A_74 : memref<1x125x80xi32, #tpu.memory_space<hbm>> -> memref<125x80xi32, #tpu.memory_space<hbm>>
      %dma_start3A_76 = arith.constant 0 : i32
      %dma_start3A_77 = arith.constant 0 : i32
      %dma_start3A_78 = tpu.memref_slice %arg3[%add3A, %dma_start3A_76, %dma_start3A_77] : memref<32x125x80xi32, #tpu.memory_space<hbm>> -> memref<1x125x80xi32, #tpu.memory_space<hbm>>
      %dma_start3A_79 = tpu.memref_squeeze %dma_start3A_78 : memref<1x125x80xi32, #tpu.memory_space<hbm>> -> memref<125x80xi32, #tpu.memory_space<hbm>>
      tpu.enqueue_dma source(%dma_start3A_79 : memref<125x80xi32, #tpu.memory_space<hbm>>) target(%arg11 : memref<125x80xi32, #tpu.memory_space<vmem>>) target_semaphore(%run_scoped3A : memref<!tpu.dma_semaphore, #tpu.memory_space<semaphore_mem>>)
      %dma_wait3A = arith.constant 0 : i32
      %dma_wait3A_80 = arith.constant 0 : i32
      %dma_wait3A_81 = tpu.memref_slice %arg3[%add3A, %dma_wait3A, %dma_wait3A_80] : memref<32x125x80xi32, #tpu.memory_space<hbm>> -> memref<1x125x80xi32, #tpu.memory_space<hbm>>
      %dma_wait3A_82 = tpu.memref_squeeze %dma_wait3A_81 : memref<1x125x80xi32, #tpu.memory_space<hbm>> -> memref<125x80xi32, #tpu.memory_space<hbm>>
      %dma_wait3A_83 = arith.constant 0 : i32
      %dma_wait3A_84 = arith.constant 0 : i32
      %dma_wait3A_85 = tpu.memref_slice %arg3[%add3A, %dma_wait3A_83, %dma_wait3A_84] : memref<32x125x80xi32, #tpu.memory_space<hbm>> -> memref<1x125x80xi32, #tpu.memory_space<hbm>>
      %dma_wait3A_86 = tpu.memref_squeeze %dma_wait3A_85 : memref<1x125x80xi32, #tpu.memory_space<hbm>> -> memref<125x80xi32, #tpu.memory_space<hbm>>
      tpu.wait_dma2 semaphore(%run_scoped3A : memref<!tpu.dma_semaphore, #tpu.memory_space<semaphore_mem>>) src(%dma_wait3A_86 : memref<125x80xi32, #tpu.memory_space<hbm>>) dst(%arg11 : memref<125x80xi32, #tpu.memory_space<vmem>>)
      tpu.yield
    }) : () -> ()
    "tpu.region"() ({
      %run_scoped3A = tpu.sem_alloc : memref<!tpu.dma_semaphore, #tpu.memory_space<semaphore_mem>>
      %dma_start3A = arith.constant 0 : i32
      %dma_start3A_73 = arith.constant 0 : i32
      %dma_start3A_74 = tpu.memref_slice %arg4[%add3A, %dma_start3A, %dma_start3A_73] : memref<32x125x80xi32, #tpu.memory_space<hbm>> -> memref<1x125x80xi32, #tpu.memory_space<hbm>>
      %dma_start3A_75 = tpu.memref_squeeze %dma_start3A_74 : memref<1x125x80xi32, #tpu.memory_space<hbm>> -> memref<125x80xi32, #tpu.memory_space<hbm>>
      %dma_start3A_76 = arith.constant 0 : i32
      %dma_start3A_77 = arith.constant 0 : i32
      %dma_start3A_78 = tpu.memref_slice %arg4[%add3A, %dma_start3A_76, %dma_start3A_77] : memref<32x125x80xi32, #tpu.memory_space<hbm>> -> memref<1x125x80xi32, #tpu.memory_space<hbm>>
      %dma_start3A_79 = tpu.memref_squeeze %dma_start3A_78 : memref<1x125x80xi32, #tpu.memory_space<hbm>> -> memref<125x80xi32, #tpu.memory_space<hbm>>
      tpu.enqueue_dma source(%dma_start3A_79 : memref<125x80xi32, #tpu.memory_space<hbm>>) target(%arg12 : memref<125x80xi32, #tpu.memory_space<vmem>>) target_semaphore(%run_scoped3A : memref<!tpu.dma_semaphore, #tpu.memory_space<semaphore_mem>>)
      %dma_wait3A = arith.constant 0 : i32
      %dma_wait3A_80 = arith.constant 0 : i32
      %dma_wait3A_81 = tpu.memref_slice %arg4[%add3A, %dma_wait3A, %dma_wait3A_80] : memref<32x125x80xi32, #tpu.memory_space<hbm>> -> memref<1x125x80xi32, #tpu.memory_space<hbm>>
      %dma_wait3A_82 = tpu.memref_squeeze %dma_wait3A_81 : memref<1x125x80xi32, #tpu.memory_space<hbm>> -> memref<125x80xi32, #tpu.memory_space<hbm>>
      %dma_wait3A_83 = arith.constant 0 : i32
      %dma_wait3A_84 = arith.constant 0 : i32
      %dma_wait3A_85 = tpu.memref_slice %arg4[%add3A, %dma_wait3A_83, %dma_wait3A_84] : memref<32x125x80xi32, #tpu.memory_space<hbm>> -> memref<1x125x80xi32, #tpu.memory_space<hbm>>
      %dma_wait3A_86 = tpu.memref_squeeze %dma_wait3A_85 : memref<1x125x80xi32, #tpu.memory_space<hbm>> -> memref<125x80xi32, #tpu.memory_space<hbm>>
      tpu.wait_dma2 semaphore(%run_scoped3A : memref<!tpu.dma_semaphore, #tpu.memory_space<semaphore_mem>>) src(%dma_wait3A_86 : memref<125x80xi32, #tpu.memory_space<hbm>>) dst(%arg12 : memref<125x80xi32, #tpu.memory_space<vmem>>)
      tpu.yield
    }) : () -> ()
    %broadcast_in_dim3A = arith.constant 1.000000e+00 : f32
    %broadcast_in_dim3A_8 = vector.broadcast %broadcast_in_dim3A : f32 to vector<16xf32>
    %swap3A = arith.constant 0 : index
    %swap3A_9 = tpu.vector_load %arg14[%swap3A] {strides = array<i32>} : memref<80xf32, #tpu.memory_space<vmem>>, vector<16xf32>,
    %swap3A_10 = vector.shape_cast %swap3A_9 : vector<16xf32> to vector<16xf32>
    %swap3A_11 = vector.shape_cast %broadcast_in_dim3A_8 : vector<16xf32> to vector<16xf32>
    tpu.vector_store %arg14[%swap3A], %swap3A_11 {strides = array<i32>} : memref<80xf32, #tpu.memory_space<vmem>>, vector<16xf32>,
    %broadcast_in_dim3A_12 = arith.constant 1.000000e+00 : f32
    %broadcast_in_dim3A_13 = vector.broadcast %broadcast_in_dim3A_12 : f32 to vector<16xf32>
    %swap3A_14 = arith.constant 16 : index
    %swap3A_15 = tpu.vector_load %arg14[%swap3A_14] {strides = array<i32>} : memref<80xf32, #tpu.memory_space<vmem>>, vector<16xf32>,
    %swap3A_16 = vector.shape_cast %swap3A_15 : vector<16xf32> to vector<16xf32>
    %swap3A_17 = vector.shape_cast %broadcast_in_dim3A_13 : vector<16xf32> to vector<16xf32>
    tpu.vector_store %arg14[%swap3A_14], %swap3A_17 {strides = array<i32>} : memref<80xf32, #tpu.memory_space<vmem>>, vector<16xf32>,
    %broadcast_in_dim3A_18 = arith.constant 1.000000e+00 : f32
    %broadcast_in_dim3A_19 = vector.broadcast %broadcast_in_dim3A_18 : f32 to vector<16xf32>
    %swap3A_20 = arith.constant 32 : index
    %swap3A_21 = tpu.vector_load %arg14[%swap3A_20] {strides = array<i32>} : memref<80xf32, #tpu.memory_space<vmem>>, vector<16xf32>,
    %swap3A_22 = vector.shape_cast %swap3A_21 : vector<16xf32> to vector<16xf32>
    %swap3A_23 = vector.shape_cast %broadcast_in_dim3A_19 : vector<16xf32> to vector<16xf32>
    tpu.vector_store %arg14[%swap3A_20], %swap3A_23 {strides = array<i32>} : memref<80xf32, #tpu.memory_space<vmem>>, vector<16xf32>,
    %broadcast_in_dim3A_24 = arith.constant 1.000000e+00 : f32
    %broadcast_in_dim3A_25 = vector.broadcast %broadcast_in_dim3A_24 : f32 to vector<16xf32>
    %swap3A_26 = arith.constant 48 : index
    %swap3A_27 = tpu.vector_load %arg14[%swap3A_26] {strides = array<i32>} : memref<80xf32, #tpu.memory_space<vmem>>, vector<16xf32>,
    %swap3A_28 = vector.shape_cast %swap3A_27 : vector<16xf32> to vector<16xf32>
    %swap3A_29 = vector.shape_cast %broadcast_in_dim3A_25 : vector<16xf32> to vector<16xf32>
    tpu.vector_store %arg14[%swap3A_26], %swap3A_29 {strides = array<i32>} : memref<80xf32, #tpu.memory_space<vmem>>, vector<16xf32>,
    %broadcast_in_dim3A_30 = arith.constant 1.000000e+00 : f32
    %broadcast_in_dim3A_31 = vector.broadcast %broadcast_in_dim3A_30 : f32 to vector<16xf32>
    %swap3A_32 = arith.constant 64 : index
    %swap3A_33 = tpu.vector_load %arg14[%swap3A_32] {strides = array<i32>} : memref<80xf32, #tpu.memory_space<vmem>>, vector<16xf32>,
    %swap3A_34 = vector.shape_cast %swap3A_33 : vector<16xf32> to vector<16xf32>
    %swap3A_35 = vector.shape_cast %broadcast_in_dim3A_31 : vector<16xf32> to vector<16xf32>
    tpu.vector_store %arg14[%swap3A_32], %swap3A_35 {strides = array<i32>} : memref<80xf32, #tpu.memory_space<vmem>>, vector<16xf32>,
    %barrier3A = arith.constant 0 : index
    tpu.barrier barrier_id(%barrier3A)
    %scan3A = arith.constant 0 : i32
    %scan3A_36 = arith.constant 0 : i32
    %scan3A_37 = arith.constant 125 : i32
    %scan3A_38 = arith.addi %scan3A_36, %scan3A_37 : i32
    %scan3A_39 = arith.constant 1 : i32
    scf.for %scan3A_73 = %scan3A_36 to %scan3A_38 step %scan3A_39  : i32 {
      %dma_start3A = arith.constant 0 : i32
      %dma_start3A_74 = tpu.memref_slice %arg11[%scan3A_73, %dma_start3A] : memref<125x80xi32, #tpu.memory_space<vmem>> -> memref<1x80xi32, #tpu.memory_space<vmem>>
      %dma_start3A_75 = tpu.memref_squeeze %dma_start3A_74 : memref<1x80xi32, #tpu.memory_space<vmem>> -> memref<80xi32, #tpu.memory_space<vmem>>
      %dma_start3A_76 = arith.constant 0 : i32
      %dma_start3A_77 = arith.constant 0 : i32
      %dma_start3A_78 = tpu.memref_slice %arg2[%dma_start3A_76, %dma_start3A_77] : memref<10000x128xf32, #tpu.memory_space<hbm>> -> memref<10000x128xf32, #tpu.memory_space<hbm>>
      tpu.enqueue_indirect_dma source(%dma_start3A_78 : memref<10000x128xf32, #tpu.memory_space<hbm>>) target(%arg13 : memref<80x128xf32, #tpu.memory_space<vmem>>) offsets(%dma_start3A_75 : memref<80xi32, #tpu.memory_space<vmem>>) semaphore(%arg17 : memref<!tpu.dma_semaphore, #tpu.memory_space<semaphore_mem>>)
      %dma_wait3A = arith.constant 0 : i32
      %dma_wait3A_79 = tpu.memref_slice %arg11[%scan3A_73, %dma_wait3A] : memref<125x80xi32, #tpu.memory_space<vmem>> -> memref<1x80xi32, #tpu.memory_space<vmem>>
      %dma_wait3A_80 = tpu.memref_squeeze %dma_wait3A_79 : memref<1x80xi32, #tpu.memory_space<vmem>> -> memref<80xi32, #tpu.memory_space<vmem>>
      %dma_wait3A_81 = arith.constant 0 : i32
      %dma_wait3A_82 = arith.constant 0 : i32
      %dma_wait3A_83 = tpu.memref_slice %arg2[%dma_wait3A_81, %dma_wait3A_82] : memref<10000x128xf32, #tpu.memory_space<hbm>> -> memref<10000x128xf32, #tpu.memory_space<hbm>>
      tpu.wait_indirect_dma semaphore(%arg17 : memref<!tpu.dma_semaphore, #tpu.memory_space<semaphore_mem>>) src(%dma_wait3A_83 : memref<10000x128xf32, #tpu.memory_space<hbm>>) dst(%arg13 : memref<80x128xf32, #tpu.memory_space<vmem>>)
      "tpu.region"() ({
        %run_scoped3A = tpu.sem_alloc : memref<!tpu.dma_semaphore, #tpu.memory_space<semaphore_mem>>
        %dma_start3A_84 = arith.constant 0 : i32
        %dma_start3A_85 = tpu.memref_slice %arg12[%scan3A_73, %dma_start3A_84] : memref<125x80xi32, #tpu.memory_space<vmem>> -> memref<1x80xi32, #tpu.memory_space<vmem>>
        %dma_start3A_86 = tpu.memref_squeeze %dma_start3A_85 : memref<1x80xi32, #tpu.memory_space<vmem>> -> memref<80xi32, #tpu.memory_space<vmem>>
        %dma_start3A_87 = arith.constant 0 : i32
        %dma_start3A_88 = arith.constant 0 : i32
        %dma_start3A_89 = tpu.memref_slice %arg15[%dma_start3A_87, %dma_start3A_88] : memref<10000x128xf32, #tpu.memory_space<vmem_shared>> -> memref<10000x128xf32, #tpu.memory_space<vmem_shared>>
        tpu.enqueue_indirect_dma source(%arg13 : memref<80x128xf32, #tpu.memory_space<vmem>>) target(%dma_start3A_89 : memref<10000x128xf32, #tpu.memory_space<vmem_shared>>) offsets(%dma_start3A_86 : memref<80xi32, #tpu.memory_space<vmem>>) semaphore(%run_scoped3A : memref<!tpu.dma_semaphore, #tpu.memory_space<semaphore_mem>>) {add = true}
        %dma_wait3A_90 = arith.constant 0 : i32
        %dma_wait3A_91 = tpu.memref_slice %arg12[%scan3A_73, %dma_wait3A_90] : memref<125x80xi32, #tpu.memory_space<vmem>> -> memref<1x80xi32, #tpu.memory_space<vmem>>
        %dma_wait3A_92 = tpu.memref_squeeze %dma_wait3A_91 : memref<1x80xi32, #tpu.memory_space<vmem>> -> memref<80xi32, #tpu.memory_space<vmem>>
        %dma_wait3A_93 = arith.constant 0 : i32
        %dma_wait3A_94 = arith.constant 0 : i32
        %dma_wait3A_95 = tpu.memref_slice %arg15[%dma_wait3A_93, %dma_wait3A_94] : memref<10000x128xf32, #tpu.memory_space<vmem_shared>> -> memref<10000x128xf32, #tpu.memory_space<vmem_shared>>
        tpu.wait_indirect_dma semaphore(%run_scoped3A : memref<!tpu.dma_semaphore, #tpu.memory_space<semaphore_mem>>) src(%arg13 : memref<80x128xf32, #tpu.memory_space<vmem>>) dst(%dma_wait3A_95 : memref<10000x128xf32, #tpu.memory_space<vmem_shared>>)
        tpu.yield
      }) : () -> ()
      "tpu.region"() ({
        %run_scoped3A = tpu.sem_alloc : memref<!tpu.dma_semaphore, #tpu.memory_space<semaphore_mem>>
        %dma_start3A_84 = arith.constant 0 : i32
        %dma_start3A_85 = tpu.memref_slice %arg12[%scan3A_73, %dma_start3A_84] : memref<125x80xi32, #tpu.memory_space<vmem>> -> memref<1x80xi32, #tpu.memory_space<vmem>>
        %dma_start3A_86 = tpu.memref_squeeze %dma_start3A_85 : memref<1x80xi32, #tpu.memory_space<vmem>> -> memref<80xi32, #tpu.memory_space<vmem>>
        %dma_start3A_87 = arith.constant 0 : i32
        %dma_start3A_88 = tpu.memref_slice %arg16[%dma_start3A_87] : memref<10000xf32, #tpu.memory_space<vmem_shared>> -> memref<10000xf32, #tpu.memory_space<vmem_shared>>
        tpu.enqueue_indirect_dma source(%arg14 : memref<80xf32, #tpu.memory_space<vmem>>) target(%dma_start3A_88 : memref<10000xf32, #tpu.memory_space<vmem_shared>>) offsets(%dma_start3A_86 : memref<80xi32, #tpu.memory_space<vmem>>) semaphore(%run_scoped3A : memref<!tpu.dma_semaphore, #tpu.memory_space<semaphore_mem>>) {add = true}
        %dma_wait3A_89 = arith.constant 0 : i32
        %dma_wait3A_90 = tpu.memref_slice %arg12[%scan3A_73, %dma_wait3A_89] : memref<125x80xi32, #tpu.memory_space<vmem>> -> memref<1x80xi32, #tpu.memory_space<vmem>>
        %dma_wait3A_91 = tpu.memref_squeeze %dma_wait3A_90 : memref<1x80xi32, #tpu.memory_space<vmem>> -> memref<80xi32, #tpu.memory_space<vmem>>
        %dma_wait3A_92 = arith.constant 0 : i32
        %dma_wait3A_93 = tpu.memref_slice %arg16[%dma_wait3A_92] : memref<10000xf32, #tpu.memory_space<vmem_shared>> -> memref<10000xf32, #tpu.memory_space<vmem_shared>>
        tpu.wait_indirect_dma semaphore(%run_scoped3A : memref<!tpu.dma_semaphore, #tpu.memory_space<semaphore_mem>>) src(%arg14 : memref<80xf32, #tpu.memory_space<vmem>>) dst(%dma_wait3A_93 : memref<10000xf32, #tpu.memory_space<vmem_shared>>)
        tpu.yield
      }) : () -> ()
    }
    %scan3A_40 = arith.constant 125 : i32
    %barrier3A_41 = arith.constant 0 : index
    tpu.barrier barrier_id(%barrier3A_41)
    %eq3A_42 = arith.constant 0 : i32
    %eq3A_43 = arith.cmpi eq, %arg1, %eq3A_42 : i32
    %eq3A_44 = arith.constant 0 : i32
    %eq3A_45 = arith.cmpi eq, %arg0, %eq3A_44 : i32
    %and3A = arith.andi %eq3A_43, %eq3A_45 : i1
    %convert_element_type3A_46 = arith.extui %and3A : i1 to i32
    %cond3A_47 = arith.constant 0 : i32
    %cond3A_48 = arith.cmpi ne, %convert_element_type3A_46, %cond3A_47 : i32
    scf.if %cond3A_48 {
      "tpu.region"() ({
        %run_scoped3A = tpu.sem_alloc : memref<!tpu.dma_semaphore, #tpu.memory_space<semaphore_mem>>
        tpu.enqueue_dma source(%arg15 : memref<10000x128xf32, #tpu.memory_space<vmem_shared>>) target(%arg7 : memref<10000x128xf32, #tpu.memory_space<hbm>>) target_semaphore(%run_scoped3A : memref<!tpu.dma_semaphore, #tpu.memory_space<semaphore_mem>>)
        tpu.wait_dma2 semaphore(%run_scoped3A : memref<!tpu.dma_semaphore, #tpu.memory_space<semaphore_mem>>) src(%arg15 : memref<10000x128xf32, #tpu.memory_space<vmem_shared>>) dst(%arg7 : memref<10000x128xf32, #tpu.memory_space<hbm>>)
        tpu.yield
      }) : () -> ()
    } else {
    }
    %eq3A_49 = arith.constant 0 : i32
    %eq3A_50 = arith.cmpi eq, %arg1, %eq3A_49 : i32
    %eq3A_51 = arith.constant 1 : i32
    %eq3A_52 = arith.cmpi eq, %arg0, %eq3A_51 : i32
    %and3A_53 = arith.andi %eq3A_50, %eq3A_52 : i1
    %convert_element_type3A_54 = arith.extui %and3A_53 : i1 to i32
    %cond3A_55 = arith.constant 0 : i32
    %cond3A_56 = arith.cmpi ne, %convert_element_type3A_54, %cond3A_55 : i32
    scf.if %cond3A_56 {
      "tpu.region"() ({
        %run_scoped3A = tpu.sem_alloc : memref<!tpu.dma_semaphore, #tpu.memory_space<semaphore_mem>>
        tpu.enqueue_dma source(%arg15 : memref<10000x128xf32, #tpu.memory_space<vmem_shared>>) target(%arg8 : memref<10000x128xf32, #tpu.memory_space<hbm>>) target_semaphore(%run_scoped3A : memref<!tpu.dma_semaphore, #tpu.memory_space<semaphore_mem>>)
        tpu.wait_dma2 semaphore(%run_scoped3A : memref<!tpu.dma_semaphore, #tpu.memory_space<semaphore_mem>>) src(%arg15 : memref<10000x128xf32, #tpu.memory_space<vmem_shared>>) dst(%arg8 : memref<10000x128xf32, #tpu.memory_space<hbm>>)
        tpu.yield
      }) : () -> ()
    } else {
    }
    %eq3A_57 = arith.constant 1 : i32
    %eq3A_58 = arith.cmpi eq, %arg1, %eq3A_57 : i32
    %eq3A_59 = arith.constant 0 : i32
    %eq3A_60 = arith.cmpi eq, %arg0, %eq3A_59 : i32
    %and3A_61 = arith.andi %eq3A_58, %eq3A_60 : i1
    %convert_element_type3A_62 = arith.extui %and3A_61 : i1 to i32
    %cond3A_63 = arith.constant 0 : i32
    %cond3A_64 = arith.cmpi ne, %convert_element_type3A_62, %cond3A_63 : i32
    scf.if %cond3A_64 {
      "tpu.region"() ({
        %run_scoped3A = tpu.sem_alloc : memref<!tpu.dma_semaphore, #tpu.memory_space<semaphore_mem>>
        tpu.enqueue_dma source(%arg16 : memref<10000xf32, #tpu.memory_space<vmem_shared>>) target(%arg9 : memref<10000xf32, #tpu.memory_space<hbm>>) target_semaphore(%run_scoped3A : memref<!tpu.dma_semaphore, #tpu.memory_space<semaphore_mem>>)
        tpu.wait_dma2 semaphore(%run_scoped3A : memref<!tpu.dma_semaphore, #tpu.memory_space<semaphore_mem>>) src(%arg16 : memref<10000xf32, #tpu.memory_space<vmem_shared>>) dst(%arg9 : memref<10000xf32, #tpu.memory_space<hbm>>)
        tpu.yield
      }) : () -> ()
    } else {
    }
    %eq3A_65 = arith.constant 1 : i32
    %eq3A_66 = arith.cmpi eq, %arg1, %eq3A_65 : i32
    %eq3A_67 = arith.constant 1 : i32
    %eq3A_68 = arith.cmpi eq, %arg0, %eq3A_67 : i32
    %and3A_69 = arith.andi %eq3A_66, %eq3A_68 : i1
    %convert_element_type3A_70 = arith.extui %and3A_69 : i1 to i32
    %cond3A_71 = arith.constant 0 : i32
    %cond3A_72 = arith.cmpi ne, %convert_element_type3A_70, %cond3A_71 : i32
    scf.if %cond3A_72 {
      "tpu.region"() ({
        %run_scoped3A = tpu.sem_alloc : memref<!tpu.dma_semaphore, #tpu.memory_space<semaphore_mem>>
        tpu.enqueue_dma source(%arg16 : memref<10000xf32, #tpu.memory_space<vmem_shared>>) target(%arg10 : memref<10000xf32, #tpu.memory_space<hbm>>) target_semaphore(%run_scoped3A : memref<!tpu.dma_semaphore, #tpu.memory_space<semaphore_mem>>)
        tpu.wait_dma2 semaphore(%run_scoped3A : memref<!tpu.dma_semaphore, #tpu.memory_space<semaphore_mem>>) src(%arg16 : memref<10000xf32, #tpu.memory_space<vmem_shared>>) dst(%arg10 : memref<10000xf32, #tpu.memory_space<hbm>>)
        tpu.yield
      }) : () -> ()
    } else {
    }
    return
  }
}

module attributes {stable_mosaic.version = 14 : i64} {
  func.func @_tc_body(%arg0: memref<10000x128xf32, #tpu.memory_space<vmem>>, %arg1: memref<10000x128xf32, #tpu.memory_space<vmem>>, %arg2: memref<10000x128xf32, #tpu.memory_space<vmem>>, %arg3: memref<10000x1xf32, #tpu.memory_space<vmem>>, %arg4: memref<10000x1xf32, #tpu.memory_space<vmem>>, %arg5: memref<128x128xf32, #tpu.memory_space<vmem>>, %arg6: memref<128x128xf32, #tpu.memory_space<vmem>>, %arg7: memref<1x128xf32, #tpu.memory_space<vmem>>, %arg8: memref<10000x128xf32, #tpu.memory_space<vmem>>) attributes {dimension_semantics = [], scalar_prefetch = 0 : i64, scratch_operands = 0 : i64, tpu.core_type = #tpu.core_type<tc>} {
    %get3A = arith.constant 0 : index
    %get3A_0 = arith.constant 0 : index
    %get3A_1 = vector.load %arg1[%get3A, %get3A_0] : memref<10000x128xf32, #tpu.memory_space<vmem>>, vector<10000x128xf32>
    %get3A_2 = arith.constant 0 : index
    %get3A_3 = arith.constant 0 : index
    %get3A_4 = vector.load %arg2[%get3A_2, %get3A_3] : memref<10000x128xf32, #tpu.memory_space<vmem>>, vector<10000x128xf32>
    %add3A = arith.addf %get3A_1, %get3A_4 : vector<10000x128xf32>
    %get3A_5 = arith.constant 0 : index
    %get3A_6 = arith.constant 0 : index
    %get3A_7 = vector.load %arg3[%get3A_5, %get3A_6] : memref<10000x1xf32, #tpu.memory_space<vmem>>, vector<10000x1xf32>
    %get3A_8 = arith.constant 0 : index
    %get3A_9 = arith.constant 0 : index
    %get3A_10 = vector.load %arg4[%get3A_8, %get3A_9] : memref<10000x1xf32, #tpu.memory_space<vmem>>, vector<10000x1xf32>
    %add3A_11 = arith.addf %get3A_7, %get3A_10 : vector<10000x1xf32>
    %max3A = arith.constant 1.000000e+00 : f32
    %max3A_12 = vector.broadcast %max3A : f32 to vector<10000x1xf32>
    %max3A_13 = arith.maximumf %add3A_11, %max3A_12 : vector<10000x1xf32>
    %div3A = vector.broadcast %max3A_13 : vector<10000x1xf32> to vector<10000x128xf32>
    %div3A_14 = arith.divf %add3A, %div3A : vector<10000x128xf32>
    %get3A_15 = arith.constant 0 : index
    %get3A_16 = arith.constant 0 : index
    %get3A_17 = vector.load %arg0[%get3A_15, %get3A_16] : memref<10000x128xf32, #tpu.memory_space<vmem>>, vector<10000x128xf32>
    %get3A_18 = arith.constant 0 : index
    %get3A_19 = arith.constant 0 : index
    %get3A_20 = vector.load %arg5[%get3A_18, %get3A_19] : memref<128x128xf32, #tpu.memory_space<vmem>>, vector<128x128xf32>
    %dot_general3A = arith.constant dense<0.000000e+00> : vector<10000x128xf32>
    %dot_general3A_21 = tpu.matmul %get3A_17, %get3A_20, %dot_general3A {dimension_numbers = #tpu.dot_dimension_numbers<[1], [0], [0], [1], [0, 0, 1, 1], [], []>, transpose_lhs_hint = false} : vector<10000x128xf32>, vector<128x128xf32>, vector<10000x128xf32> -> vector<10000x128xf32>
    %get3A_22 = arith.constant 0 : index
    %get3A_23 = arith.constant 0 : index
    %get3A_24 = vector.load %arg6[%get3A_22, %get3A_23] : memref<128x128xf32, #tpu.memory_space<vmem>>, vector<128x128xf32>
    %dot_general3A_25 = arith.constant dense<0.000000e+00> : vector<10000x128xf32>
    %dot_general3A_26 = tpu.matmul %div3A_14, %get3A_24, %dot_general3A_25 {dimension_numbers = #tpu.dot_dimension_numbers<[1], [0], [0], [1], [0, 0, 1, 1], [], []>, transpose_lhs_hint = false} : vector<10000x128xf32>, vector<128x128xf32>, vector<10000x128xf32> -> vector<10000x128xf32>
    %add3A_27 = arith.addf %dot_general3A_21, %dot_general3A_26 : vector<10000x128xf32>
    %get3A_28 = arith.constant 0 : index
    %get3A_29 = arith.constant 0 : index
    %get3A_30 = vector.load %arg7[%get3A_28, %get3A_29] : memref<1x128xf32, #tpu.memory_space<vmem>>, vector<1x128xf32>
    %add3A_31 = vector.broadcast %get3A_30 : vector<1x128xf32> to vector<10000x128xf32>
    %add3A_32 = arith.addf %add3A_27, %add3A_31 : vector<10000x128xf32>
    %swap3A = arith.constant 0 : index
    %swap3A_33 = arith.constant 0 : index
    %swap3A_34 = vector.load %arg8[%swap3A, %swap3A_33] : memref<10000x128xf32, #tpu.memory_space<vmem>>, vector<10000x128xf32>
    tpu.vector_store %arg8[%swap3A, %swap3A_33], %add3A_32 {strides = array<i32>} : memref<10000x128xf32, #tpu.memory_space<vmem>>, vector<10000x128xf32>,
    return
  }
}

</mosaic_0001>

<sc_bundles>
// kernel: kernel.4.cloned.1.call-start
scs
__scs_entry_jumppad:
0x0: {  	(pc) =	sbr.rel $0x88, $3  }
0x1: {  	(tag) =	ssettag $0x0;
	lr =	simm.s32 $0x1  }
0x2: {  	[smem:$0x3F9C] =	sst lr;
	_ =	strace $0xD0000000  }
0x3: {  	_ = 	snop  }
0x4: {  	_ = 	snop  }
0x5: {  	_ = 	snop  }
0x6: {  	_ = 	snop  }
0x7: {  	_ = 	snop  }
__scs_overlays_trampoline_lowered:
0x8: {  	[smem:$0x3FAB] =	sst s0  }
0x9: {  	[smem:$0x3FAC] =	sst s1  }
0xa: {  	[smem:$0x3FAD] =	sst s2  }
0xb: {  	[smem:$0x3FAE] =	sst s3  }
0xc: {  	[smem:$0x3FAF] =	sst s4  }
0xd: {  	[smem:$0x3FB0] =	sst s5  }
0xe: {  	[smem:$0x3FB1] =	sst s6  }
0xf: {  	[smem:$0x3FB2] =	sst s7  }
0x10: {  	[smem:$0x3FB3] =	sst s8  }
0x11: {  	[smem:$0x3FB4] =	sst s9;
	s0 =	simm.s32 @!p0 $0x0  }
0x12: {  	s1 =	sld [smem:$0x3F9A];
	s0 =	simm.s32 @p0 $0x1  }
0x13: {  	[smem:$0x3FB5] =	sst s0;
	s0 =	simm.s32 @!p1 $0x0  }
0x14: {  	s2 =	sld [smem:$0x3F99];
	s0 =	simm.s32 @p1 $0x1  }
0x15: {  	[smem:$0x3FB6] =	sst s0;
	s0 =	simm.s32 @!p2 $0x0  }
0x16: {  	s3 =	sld [smem:$0x3FDB];
	s0 =	simm.s32 @p2 $0x1  }
0x17: {  	s4 =	simm.s32 $0x1BF5;
	[smem:$0x3FB8] =	sst s0  }
0x18: {  	s0 =	sld [smem:$0x3F9B];
	_ =	swait.ge [sflag:s4], $0x0  }
0x19: {  	s7 =	sld [smem:$0x3F9C]  }
0x1a: {  	s8 =	sadd.s32 $0xFFFFE003, lr  }
0x1b: {  	s9 =	sadd.s32 $0xFFFFFEF7, lr;
	s5 =	simm.s32 $0xFFFFFFFF;
	p2 =	slt.u32 s8, $0xFFFFF086  }
0x1c: {  	p1 =	slt.u32 s9, $0xF7A;
	s5 =	simm.s32 @!p2 $0x0  }
0x1d: {  	s5 =	simm.s32 @p1 $0x1;
	p0 =	seq.s32 s7, s2  }
0x1e: {  	s7 =	smul.u32 @!p0 $0xF7A, s2;
	p2 =	seq.s32 @!p0 s5, $0x0  }
0x1f: {  	s9 =	smul.u32 $0xF7A, s1;
	s8 =	simm.s32 @!p0 $0x1BF5;
	p2 =	por !p2, p0  }
0x20: {  	[sflag:s8] =	ssyncset.s32 @!p0 $0xFFFFF086;
	s6 =	sadd.s32 @!p0 s3, s7;
	s7 =	simm.s32 @!p0 $0x108  }
0x21: {  	s3 =	sadd.s32 s3, s9;
	s6 =	sadd.s32 @!p0 $0x88, s6;
	s7 =	simm.s32 @p2 $0x1082  }
0x22: {  	[simem:s7], [sflag:s8] =	dma.local @!p0 [hbm:s6], $0xF7A  }
0x23: {  	s9 =	sor.u32 $0xD0000000, s2;
	s6 =	simm.s32 $0x108;
	_ =	swait.ge @!p0 [sflag:s8], $0x0  }
0x24: {  	s3 =	sadd.s32 $0x88, s3;
	s6 =	simm.s32 @!p1 $0x1082;
	[sflag:s4] =	ssyncset.s32 $0xFFFFF086  }
0x25: {  	[simem:s6], [sflag:s4] =	dma.local [hbm:s3], $0xF7A  }
0x26: {  	[smem:$0x3F9C] =	sst s1;
	(tag) =	ssettag s2;
	_ =	strace s9  }
0x27: {  	s1 =	sld [smem:$0x3FAC]  }
0x28: {  	s2 =	sld [smem:$0x3FAD]  }
0x29: {  	s4 =	sld [smem:$0x3FAF]  }
0x2a: {  	p0 =	seq.s32 s5, $0x0;
	s5 =	sld [smem:$0x3FB0]  }
0x2b: {  	s6 =	sld [smem:$0x3FB1]  }
0x2c: {  	s7 =	sld [smem:$0x3FB2]  }
0x2d: {  	s3 =	simm.s32 $0x108;
	s8 =	sld [smem:$0x3FB3]  }
0x2e: {  	s3 =	simm.s32 @!p0 $0x1082;
	s9 =	sld [smem:$0x3FB4]  }
0x2f: {  	lr =	sadd.s32 s0, s3;
	s0 =	sld [smem:$0x3FAB]  }
0x30: {  	s3 =	sld [smem:$0x3FAE]  }
0x31: {  	[smem:$0x3FB7] =	sst s10  }
0x32: {  	s10 =	sld [smem:$0x3FB5];
	_ =	sdelay $0x3  }
0x33: {  	p0 =	seq.s32 s10, $0x1;
	s10 =	sld [smem:$0x3FB7];
	_ =	sdelay $0x3  }
0x34: {  	[smem:$0x3FB7] =	sst s10  }
0x35: {  	s10 =	sld [smem:$0x3FB6];
	_ =	sdelay $0x3  }
0x36: {  	p1 =	seq.s32 s10, $0x1;
	s10 =	sld [smem:$0x3FB7];
	_ =	sdelay $0x3  }
0x37: {  	[smem:$0x3FB7] =	sst s10  }
0x38: {  	s10 =	sld [smem:$0x3FB8]  }
0x39: {  	_ = 	snop;
	(pc) =	sbr.ind lr, $3  }
0x3a: {  	_ = 	snop  }
0x3b: {  	_ = 	snop  }
0x3c: {  	p2 =	seq.s32 s10, $0x1;
	s10 =	sld [smem:$0x3FB7]  }
0x3d: {  	_ =	shalt  }
0x3e: {  	_ =	shalt  }
0x3f: {  	_ =	shalt  }
0x40: {  	_ =	shalt  }
0x41: {  	_ =	shalt  }
0x42: {  	_ =	shalt  }
0x43: {  	_ =	shalt  }
0x44: {  	_ =	shalt  }
0x45: {  	_ =	shalt  }
0x46: {  	_ =	shalt  }
0x47: {  	_ =	shalt  }
0x48: {  	_ =	shalt  }
0x49: {  	_ =	shalt  }
0x4a: {  	_ =	shalt  }
0x4b: {  	_ =	shalt  }
0x4c: {  	_ =	shalt  }
0x4d: {  	_ =	shalt  }
0x4e: {  	_ =	shalt  }
0x4f: {  	_ =	shalt  }
0x50: {  	_ =	shalt  }
0x51: {  	_ =	shalt  }
0x52: {  	_ =	shalt  }
0x53: {  	_ =	shalt  }
0x54: {  	_ =	shalt  }
0x55: {  	_ =	shalt  }
0x56: {  	_ =	shalt  }
0x57: {  	_ =	shalt  }
0x58: {  	_ =	shalt  }
0x59: {  	_ =	shalt  }
0x5a: {  	_ =	shalt  }
0x5b: {  	_ =	shalt  }
0x5c: {  	_ =	shalt  }
0x5d: {  	_ =	shalt  }
0x5e: {  	_ =	shalt  }
0x5f: {  	_ =	shalt  }
0x60: {  	_ =	shalt  }
0x61: {  	_ =	shalt  }
0x62: {  	_ =	shalt  }
0x63: {  	_ =	shalt  }
0x64: {  	_ =	shalt  }
0x65: {  	_ =	shalt  }
0x66: {  	_ =	shalt  }
0x67: {  	_ =	shalt  }
0x68: {  	_ =	shalt  }
0x69: {  	_ =	shalt  }
0x6a: {  	_ =	shalt  }
0x6b: {  	_ =	shalt  }
0x6c: {  	_ =	shalt  }
0x6d: {  	_ =	shalt  }
0x6e: {  	_ =	shalt  }
0x6f: {  	_ =	shalt  }
0x70: {  	_ =	shalt  }
0x71: {  	_ =	shalt  }
0x72: {  	_ =	shalt  }
0x73: {  	_ =	shalt  }
0x74: {  	_ =	shalt  }
0x75: {  	_ =	shalt  }
0x76: {  	_ =	shalt  }
0x77: {  	_ =	shalt  }
0x78: {  	_ =	shalt  }
0x79: {  	_ =	shalt  }
0x7a: {  	_ =	shalt  }
0x7b: {  	_ =	shalt  }
0x7c: {  	_ =	shalt  }
0x7d: {  	_ =	shalt  }
0x7e: {  	_ =	shalt  }
0x7f: {  	_ =	shalt  }
0x80: {  	_ =	shalt  }
0x81: {  	_ =	shalt  }
0x82: {  	_ =	shalt  }
0x83: {  	_ =	shalt  }
0x84: {  	_ =	shalt  }
0x85: {  	_ =	shalt  }
0x86: {  	_ =	shalt  }
0x87: {  	_ =	shalt  }
.Lfunc_end0:
.L_simem_size_0:
called_computation_lowered:
.L_overlay_start_0:
0x88: {  	s2 =	sld [smem:$0x3FD9]  }
0x89: {  	s3 =	sld [smem:$0x3FFE];
	_ =	sdelay $0x1  }
0x8a: {  	s1 =	srdreg.scid  }
0x8b: {  	s0 =	sand.u32 $0x1, s1  }
0x8c: {  	s17 =	sshll.u32 s0, $0xA;
	s2 =	sadd.s32 s3, s2  }
0x8d: {  	s2 =	sadd.s32 s2, s17  }
0x8e: {  	[smem:$0x3FC3] =	sst s2  }
0x8f: {  	_ = 	snop  }
0x90: {  	s2 =	sld [smem:$0x3FC9]  }
0x91: {  	s18 =	sld [smem:$0x3FD0];
	(tm) =	ssettm $0x1  }
0x92: {  	s4 =	sld [smem:$0x3FFB];
	_ =	sdelay $0x3  }
0x93: {  	_ =	strace s4  }
0x94: {  	s4 =	sld [smem:$0x3FFC];
	_ =	sdelay $0x3  }
0x95: {  	_ =	strace s4  }
0x96: {  	s4 =	sld [smem:$0x3FFD];
	_ =	sdelay $0x3  }
0x97: {  	_ =	strace s4  }
0x98: {  	_ =	strace $0x8FFFFFFF  }
0x99: {  	s19 =	sld [smem:$0x3FDB];
	_ =	sdelay $0x1  }
0x9a: {  	s5 =	simm.s32 $_scs_section_size  }
0x9b: {  	s6 =	simm.s32 $_size__tile_overlayer_lowered;
	s7 =	simm.s32 $_tile_overlayer_lowered  }
0x9c: {  	s22 =	simm.s32 $0x1BFF;
	s21 =	sshll.u32 s7, $0x1;
	s4 =	sadd.s32 s5, s19  }
0x9d: {  	s8 =	simm.s32 $0x0;
	s20 =	sshll.u32 s6, $0x1;
	s6 =	sadd.s32 s21, s4  }
0x9e: {  	[timem:s8], [sflag:s22] =	dma.local [hbm:s6], s20  }
0x9f: {  	_ =	swait.ge [sflag:s22], s20  }
0xa0: {  	s5 =	ssub.s32 $0x0, s20;
	[sflag:s22] =	ssyncset.done $0x0  }
0xa1: {  	[sflag:s22] =	ssyncadd.s32 s5;
	_ =	sdelay $0x1  }
0xa2: {  	s23 =	simm.s32 $0x1B8B  }
0xa3: {  	_ =	swait.ge [sflag:s23], $0x1  }
0xa4: {  	[sflag:s23] =	ssyncset.done $0x0  }
0xa5: {  	s25 =	simm.s32 $0x1B8E;
	s24 =	sld [smem:$0x3FFE];
	[sflag:s23] =	ssyncadd.s32 $0xFFFFFFFF  }
0xa6: {  	s26 =	simm.s32 $execute0_lowered;
	[smem:$0x3FD2] =	sst s25  }
0xa7: {  	s6 =	sshll.u32 s26, $0x1;
	_ =	strace $0x80000046;
	[dreg:$0x1] =	wrdreg $0xFFFFFFFF  }
0xa8: {  	s28 =	simm.s32 $_size_execute0_lowered;
	s4 =	sadd.s32 s4, s6;
	[dreg:$0x0] =	wrdreg $0x0  }
0xa9: {  	s6 =	sshll.u32 s28, $0x1;
	[dreg:$0x2] =	wrdreg s4  }
0xaa: {  	[dreg:$0x3] =	wrdreg s6  }
0xab: {  	[dreg:$0x4] =	wrdreg $0xC0  }
0xac: {  	_ =	task [dreg:s8], $0x5FFFF  }
0xad: {  	[dreg:$0x1] =	wrdreg $0xFFFFFFFF  }
0xae: {  	[dreg:$0x0] =	wrdreg $0x60  }
0xaf: {  	[dreg:$0x2] =	wrdreg s2  }
0xb0: {  	[dreg:$0x3] =	wrdreg s24  }
0xb1: {  	[dreg:$0x4] =	wrdreg s18  }
0xb2: {  	[dreg:$0x5] =	wrdreg $0xA8800  }
0xb3: {  	[dreg:$0x6] =	wrdreg $0x1E1000  }
0xb4: {  	[dreg:$0x7] =	wrdreg $0x9  }
0xb5: {  	_ =	task.clear_ibuf [dreg:s8], $0x8FFFF;
	_ =	strace $0x90000046  }
0xb6: {  	s29 =	simm.s32 $0x9;
	_ =	strace $0x80000048  }
0xb7: {  	_ =	swait.ge [sflag:s29], $0x1  }
0xb8: {  	[sflag:s29] =	ssyncadd.s32 $0xFFFFFFFF  }
0xb9: {  	_ =	strace $0x90000048  }
0xba: {  	_ =	sfence  }
0xbb: {  	s30 =	sld [smem:$0x0];
	_ =	sdelay $0x2  }
0xbc: {  	s31 =	sshll.u32 s1, $0xD;
	s1 =	sshrl.u32 s1, $0x2  }
0xbd: {  	s3 =	sand.u32 $0x4000, s31;
	s1 =	sadd.s32 s1, s30  }
0xbe: {  	s0 =	sor.u32 s3, s0;
	s1 =	sshll.u32 s1, $0x11  }
0xbf: {  	s0 =	sor.u32 s1, s0  }
0xc0: {  	s0 =	sadd.s32 $0x8F2B, s0  }
0xc1: {  	[sflag:s0] =	ssyncadd.remote.s32 $0x1  }
0xc2: {  	_ =	sfence.sel $0xFFFF  }
0xc3: {  	[dreg:$0x0] =	wrdreg $0xFFFFFFFF;
	(pc) =	sbr.abs _section_cstart, $3  }
0xc4: {  	[dreg:$0x1] =	wrdreg $0xFFFFFFFF  }
0xc5: {  	_ =	task.clear_ibuf [dreg:s8], $0x2FFFF;
	_ =	strace $0x9FFFFFFF  }
0xc6: {  	(tm) =	ssettm $0x7FFFFFFF  }
0xc7: {  	_ =	shalt  }
tec
execute0_lowered:
.L_overlay_start_1:
0x0: {  	(tag) =	ssettag $0x1  }
0x1: {  	s1 =	rddreg [dreg:$0x0]  }
0x2: {  	s11 =	rddreg [dreg:$0x1]  }
0x3: {  	s2 =	rddreg [dreg:$0x2]  }
0x4: {  	s3 =	rddreg [dreg:$0x3]  }
0x5: {  	s5 =	rddreg [dreg:$0x4]  }
0x6: {  	s6 =	srdreg.scid;
	s0 =	rddreg [dreg:$0x5]  }
0x7: {  	s4 =	stileid.u32;
	s18 =	simm.s32 $0x4000;
	s19 =	simm.s32 $0x50  }
0x8: {  	s20 =	simm.s32 $0x8000;
	s22 =	simm.s32 $0xA800;
	s26 =	simm.s32 $0x0  }
0x9: {  	p5 =	por $0x0, $0x0;
	s25 =	sand.u32 $0x1, s6;
	s6 =	simm.s32 $0x0  }
0xa: {  	s8 =	sshll.u32 s4, $0xB;
	s9 =	sadd.s32 $0x22400, s11;
	s10 =	sadd.s32 $0x21800, s11  }
0xb: {  	p0 =	seq.s32 s4, $0x0;
	p1 =	seq.s32 s4, $0x1;
	s7 =	sshll.u32 s25, $0xF  }
0xc: {  	[smem:$0x7FF] =	sst s6;
	s12 =	ssub.s32 $0x2, s25;
	p2 =	seq.s32 s25, $0x1  }
0xd: {  	p4 =	sne.s32 @!p1 s4, $0x0;
	s21 =	sor.u32 s25, s4;
	s7 =	sor.u32 s8, s7  }
0xe: {  	_ =	strace $0x80000047;
	s8 =	sadd.s32 $0x49600, s11;
	s14 =	sshrl.u32 s12, $0x1  }
0xf: {  	s15 =	simm.s32 @!p2 $0x0;
	p0 =	por !p0, !p2;
	p3 =	por p4, p1  }
0x10: {  	s13 =	sadd.s32 s7, s11;
	s7 =	sadd.s32 $0x21200, s11;
	s11 =	sadd.s32 $0x21E00, s11  }
0x11: {  	s15 =	simm.s32 @p2 $0x1;
	p2 =	por !p0, !p0;
	p0 =	por !p4, p1  }
0x12: {  	s14 =	ssub.s32 s12, s14;
	s16 =	sshrl.u32 @!p3 s3, $0x3;
	s17 =	simm.s32 @!p0 $0x0  }
0x13: {  	s12 =	sadd.s32 $0x11200, s13;
	s17 =	simm.s32 @p0 $0x1;
	p0 =	sne.s32 s21, $0x0  }
0x14: {  	s13 =	sadd.s32 $0x1200, s13;
	s23 =	sshll.u32 @!p0 s4, $0x6;
	s24 =	simm.s32 @!p0 $0x0  }
0x15: {  	[smem:$0x7FA] =	sst s15;
	s23 =	sor.u32 @!p0 $0x1C02, s23;
	s24 =	simm.s32 @p0 $0x1  }
0x16: {  	[smem:$0x7FC] =	sst s24;
	s24 =	sshrl.u32 @!p0 s3, $0x3;
	p0 =	sne.s32 s25, $0x0  }
0x17: {  	s14 =	smax.u32 s14, $0x1;
	s15 =	sshrl.u32 @p1 s5, $0x3;
	s25 =	simm.s32 @!p0 $0x0  }
0x18: {  	s21 =	simm.s32 $0x1;
	[smem:$0x7FB] =	sst s17;
	s25 =	simm.s32 @p0 $0x1  }
0x19: {  	v0 =	vimm.f32 $1.000000000e+00;
	s17 =	simm.s32 $0x2;
	[smem:$0x7FD] =	sst s25;
	s25 =	sshrl.u32 @p2 s3, $0x3  }
.LBB2_1:
0x1a: {  	s28 =	simm.s32 @p1 $0x1C42  }
0x1b: {  	[spmem:s15], [sflag:s28] =	dma.local @p1 [hbm:s7], $0x4F0  }
0x1c: {  	s28 =	simm.s32 @p1 $0x2  }
0x1d: {  	_ =	swait.ge @p1 [sflag:s28], $0x4F0  }
0x1e: {  	[sflag:s28] =	ssyncset.done @p1 $0x0  }
0x1f: {  	[sflag:s28] =	ssyncadd.s32 @p1 $0xFFFFFB10;
	s28 =	simm.s32 @!p3 $0x1C02  }
0x20: {  	[spmem:s16], [sflag:s28] =	dma.local @!p3 [hbm:s2], $0x27100  }
0x21: {  	s28 =	simm.s32 @!p3 $0x2  }
0x22: {  	_ =	swait.ge @!p3 [sflag:s28], $0x27100  }
0x23: {  	[sflag:s28] =	ssyncset.done @!p3 $0x0  }
0x24: {  	[sflag:s28] =	ssyncadd.s32 @!p3 $0xFFFD8F00  }
0x25: {  	[tilespmem:s6], [sflag:$0x2] =	stream.linear.gather [hbm4b:s12+s6], $0x3E80, $0x38;
	[tilespmem:$0x1E378] =	vst v63  }
0x26: {  	_ =	swait.ge [sflag:s17], $0x3E80  }
0x27: {  	[sflag:s17] =	ssyncset.done $0x0  }
0x28: {  	[sflag:s17] =	ssyncadd.s32 $0xFFFFC180  }
0x29: {  	[tilespmem:s18], [sflag:$0x2] =	stream.linear.gather [hbm4b:s13+s6], $0x3E80, $0x38;
	[tilespmem:$0x1E378] =	vst v63  }
0x2a: {  	_ =	swait.ge [sflag:s17], $0x3E80  }
0x2b: {  	[sflag:s17] =	ssyncset.done $0x0  }
0x2c: {  	[sflag:s17] =	ssyncadd.s32 $0xFFFFC180  }
0x2d: {  	[tilespmem:$0xA800] =	vst v0  }
0x2e: {  	[tilespmem:$0xA810] =	vst v0  }
0x2f: {  	[tilespmem:$0xA820] =	vst v0  }
0x30: {  	[tilespmem:$0xA830] =	vst v0  }
0x31: {  	[tilespmem:$0xA840] =	vst v0  }
0x32: {  	s28 =	simm.s32 $0x0;
	[bflag:$0x0] =	sbarrier.arrive $0xFFFF  }
0x33: {  	[tilespmem:s20], [sflag:$0x1] =	stream.indirect.gather [hbm4b:s1+s19], $0x80, s28, s19, $0xb8;
	[tilespmem:$0x1E378] =	vst v63  }
0x34: {  	_ =	swait.ge [sflag:s21], $0x2800  }
0x35: {  	[sflag:s21] =	ssyncset.done $0x0  }
0x36: {  	s28 =	simm.s32 $0x4000;
	[sflag:s21] =	ssyncadd.s32 $0xFFFFD800  }
0x37: {  	[spmem:s3] =	stream.indirect.scatter.add.f32 [tilespmem:s20], [sflag:$0x2], $0x80, s28, s19, $0xb8;
	[tilespmem:$0x1E378] =	vst v63  }
0x38: {  	_ =	swait.ge [sflag:s17], $0x2800  }
0x39: {  	[sflag:s17] =	ssyncset.done $0x0;
	s29 =	sld [smem:$0x7FB]  }
0x3a: {  	[sflag:s17] =	ssyncadd.s32 $0xFFFFD800  }
0x3b: {  	[spmem:s5] =	stream.indirect.scatter.add.f32 [tilespmem:s22], [sflag:$0x2], $0x1, s28, s19, $0xb8;
	[tilespmem:$0x1E378] =	vst v63  }
0x3c: {  	p4 =	por @!p3 $0x0, $0x0;
	p0 =	por @p1 $0x1, $0x1;
	p6 =	seq.s32 s29, $0x1  }
0x3d: {  	s28 =	simm.s32 $0x200;
	_ =	swait.ge [sflag:s17], $0x50;
	p4 =	por @!p6 p5, p5  }
0x3e: {  	s29 =	simm.s32 $0x400;
	[sflag:s17] =	ssyncset.done $0x0;
	p0 =	por @!p1 p4, p4  }
.LBB2_2:
0x3f: {  	s30 =	sshra.s32 s28, $0x2  }
0x40: {  	[sflag:s17] =	ssyncadd.s32 $0xFFFFFFB0;
	s28 =	smov.u32 s29;
	s31 =	sadd.s32 $0x200, s29  }
0x41: {  	[tilespmem:s20], [sflag:$0x1] =	stream.indirect.gather [hbm4b:s1+s19], $0x80, s30, s19, $0xb8;
	[tilespmem:$0x1E378] =	vst v63  }
0x42: {  	p4 =	sne.s32 s29, $0xF800;
	_ =	swait.ge [sflag:s21], $0x2800  }
0x43: {  	[sflag:s21] =	ssyncset.done $0x0  }
0x44: {  	s29 =	sadd.s32 $0x4000, s30;
	[sflag:s21] =	ssyncadd.s32 $0xFFFFD800  }
0x45: {  	[spmem:s3] =	stream.indirect.scatter.add.f32 [tilespmem:s20], [sflag:$0x2], $0x80, s29, s19, $0xb8;
	[tilespmem:$0x1E378] =	vst v63  }
0x46: {  	_ =	swait.ge [sflag:s17], $0x2800  }
.Ltmp0:
0x47: {  	[sflag:s17] =	ssyncset.done $0x0;
	(pc) =	sbr.rel @p4 .LBB2_2-.Ltmp0, $4  }
0x48: {  	[sflag:s17] =	ssyncadd.s32 $0xFFFFD800  }
0x49: {  	[spmem:s5] =	stream.indirect.scatter.add.f32 [tilespmem:s22], [sflag:$0x2], $0x1, s29, s19, $0xb8;
	[tilespmem:$0x1E378] =	vst v63  }
0x4a: {  	_ =	swait.ge [sflag:s17], $0x50  }
0x4b: {  	s29 =	smov.u32 s31;
	[sflag:s17] =	ssyncset.done $0x0  }
0x4c: {  	s28 =	sshra.s32 s28, $0x2;
	[sflag:s17] =	ssyncadd.s32 $0xFFFFFFB0  }
0x4d: {  	[tilespmem:s20], [sflag:$0x1] =	stream.indirect.gather [hbm4b:s1+s19], $0x80, s28, s19, $0xb8;
	[tilespmem:$0x1E378] =	vst v63  }
0x4e: {  	_ =	swait.ge [sflag:s21], $0x2800  }
0x4f: {  	[sflag:s21] =	ssyncset.done $0x0  }
0x50: {  	s28 =	sadd.s32 $0x4000, s28;
	[sflag:s21] =	ssyncadd.s32 $0xFFFFD800  }
0x51: {  	[spmem:s3] =	stream.indirect.scatter.add.f32 [tilespmem:s20], [sflag:$0x2], $0x80, s28, s19, $0xb8;
	[tilespmem:$0x1E378] =	vst v63  }
0x52: {  	_ =	swait.ge [sflag:s17], $0x2800  }
0x53: {  	[sflag:s17] =	ssyncset.done $0x0  }
0x54: {  	[sflag:s17] =	ssyncadd.s32 $0xFFFFD800  }
0x55: {  	[spmem:s5] =	stream.indirect.scatter.add.f32 [tilespmem:s22], [sflag:$0x2], $0x1, s28, s19, $0xb8;
	[tilespmem:$0x1E378] =	vst v63  }
0x56: {  	_ =	swait.ge [sflag:s17], $0x50  }
0x57: {  	[sflag:s17] =	ssyncset.done $0x0  }
0x58: {  	[sflag:s17] =	ssyncadd.s32 $0xFFFFFFB0  }
0x59: {  	[bflag:$0x0] =	sbarrier.arrive $0xFFFF  }
0x5a: {  	s31 =	sld [smem:$0x7FC];
	_ =	sdelay $0x2  }
0x5b: {  	p4 =	seq.s32 s31, $0x1  }
0x5c: {  	[hbm:s8], [sflag:s23] =	dma.local @!p4 [spmem:s24], $0x27100  }
0x5d: {  	s28 =	simm.s32 @!p4 $0x2  }
0x5e: {  	_ =	swait.ge @!p4 [sflag:s28], $0x27100  }
0x5f: {  	[sflag:s28] =	ssyncset.done @!p4 $0x0  }
0x60: {  	[sflag:s28] =	ssyncadd.s32 @!p4 $0xFFFD8F00;
	s28 =	simm.s32 @p2 $0x1C02  }
0x61: {  	[hbm:s9], [sflag:s28] =	dma.local @p2 [spmem:s25], $0x27100  }
0x62: {  	s28 =	simm.s32 @p2 $0x2  }
0x63: {  	_ =	swait.ge @p2 [sflag:s28], $0x27100  }
0x64: {  	s29 =	sld [smem:$0x7FD];
	_ =	sdelay $0x2  }
0x65: {  	p4 =	por !p0, !p0;
	p6 =	seq.s32 s29, $0x1  }
0x66: {  	p4 =	por p6, p4  }
0x67: {  	[sflag:s28] =	ssyncset.done @p2 $0x0;
	s29 =	sshll.u32 @!p4 s4, $0x6  }
0x68: {  	[sflag:s28] =	ssyncadd.s32 @p2 $0xFFFD8F00;
	s28 =	sor.u32 @!p4 $0x1C02, s29;
	s29 =	sshrl.u32 @!p4 s5, $0x3  }
0x69: {  	[hbm:s10], [sflag:s28] =	dma.local @!p4 [spmem:s29], $0x4F0  }
0x6a: {  	s29 =	sld [smem:$0x7FA];
	_ =	sdelay $0x2  }
0x6b: {  	s28 =	simm.s32 @!p4 $0x2;
	p6 =	seq.s32 s29, $0x1  }
0x6c: {  	_ =	swait.ge @!p4 [sflag:s28], $0x4F0;
	p6 =	por !p0, !p6  }
0x6d: {  	[sflag:s28] =	ssyncset.done @!p4 $0x0;
	p0 =	por !p6, !p6  }
0x6e: {  	s26 =	sadd.s32 $0x1, s26;
	[sflag:s28] =	ssyncadd.s32 @!p4 $0xFFFFFB10;
	s29 =	sshll.u32 @p0 s4, $0x6  }
0x6f: {  	p4 =	sne.s32 s26, s14;
	s28 =	sor.u32 @p0 $0x1C02, s29;
	s29 =	sshrl.u32 @p0 s5, $0x3  }
0x70: {  	[hbm:s11], [sflag:s28] =	dma.local @p0 [spmem:s29], $0x4F0  }
.Ltmp1:
0x71: {  	_ = 	snop;
	(pc) =	sbr.rel @p4 .LBB2_1-.Ltmp1, $4  }
0x72: {  	s28 =	simm.s32 @p0 $0x2  }
0x73: {  	_ =	swait.ge @p0 [sflag:s28], $0x4F0  }
0x74: {  	[sflag:s28] =	ssyncset.done @p0 $0x0  }
0x75: {  	[sflag:s28] =	ssyncadd.s32 @p0 $0xFFFFFB10  }
0x76: {  	_ =	sfence.sel $0x180000  }
0x77: {  	[bflag:$0x0] =	sbarrier.arrive $0xFFFF  }
0x78: {  	p0 =	sne.s32 s4, $0x0;
	_ =	strace $0x90000047  }
0x79: {  	s0 =	sadd.s32 @!p0 $0x100000, s0;
	[bflag:$0x2] =	sbarrier.arrive $0xFFFF  }
0x7a: {  	[sflag:s0] =	ssyncadd.tile.s32 @!p0 $0x1;
	_ =	shalt  }
.Lfunc_end2:
_tile_overlayer_lowered:
.L_overlay_start_2:
0x7b: {  	(tag) =	ssettag $0x2  }
0x7c: {  	s0 =	rddreg [dreg:$0x0];
	s2 =	stileid.u32  }
0x7d: {  	s1 =	rddreg [dreg:$0x1];
	p0 =	sne.s32 s2, $0x0  }
0x7e: {  	s3 =	rddreg [dreg:$0x2];
	[bflag:$0x3] =	sbarrier.arrive $0xFFFF;
	s2 =	simm.s32 @!p0 $0x1C02  }
0x7f: {  	[timem:s3], [sflag:s2] =	dma.local @!p0 [hbm:s0], s1  }
0x80: {  	s0 =	simm.s32 @!p0 $0x2  }
0x81: {  	_ =	swait.ge @!p0 [sflag:s0], s1  }
0x82: {  	s1 =	ssub.s32 @!p0 $0x0, s1;
	[sflag:s0] =	ssyncset.done @!p0 $0x0  }
0x83: {  	[sflag:s0] =	ssyncadd.s32 @!p0 s1  }
0x84: {  	[bflag:$0x3] =	sbarrier.arrive $0xFFFF  }
0x85: {  	_ =	shalt  }

</sc_bundles>
